<compile_context>
chip_gen: v7x
topology: tpu7x:2x2x1
jax: 0.10.2.dev20260603
libtpu: 0.0.44.dev20260713+nightly
codegen_flags: <defaults>
</compile_context>

<pallas_src>
import functools

import jax
import jax.numpy as jnp
from jax import lax
from jax.experimental import pallas as pl
from jax.experimental.pallas import tpu as pltpu
from jax.experimental.pallas import tpu_sc as plsc

_D = 512
_V = 5000
_B = 16384
_ROWS_BLK = 2504

_NC = 2
_NS = 16
_NW = _NC * _NS
_BPW = _B // _NW
_CH = 128
_NCH = _BPW // _CH


def _mlp_body(pe_ref, w1_ref, b1_ref, w2_ref, b2_ref, out_ref):
    x = pe_ref[...]
    h = lax.dot_general(x, w1_ref[...], (((1,), (1,)), ((), ())),
                        preferred_element_type=jnp.float32)
    h = h + b1_ref[...]
    h = h * (1.0 / (1.0 + jnp.exp(-h)))
    y = lax.dot_general(h, w2_ref[...], (((1,), (1,)), ((), ())),
                        preferred_element_type=jnp.float32)
    out_ref[...] = y + b2_ref[...]


_mlp = pl.pallas_call(
    _mlp_body,
    grid=(pl.cdiv(_V, _ROWS_BLK),),
    in_specs=[
        pl.BlockSpec((_ROWS_BLK, _D), lambda i: (i, 0)),
        pl.BlockSpec((_D, _D), lambda i: (0, 0)),
        pl.BlockSpec((1, _D), lambda i: (0, 0)),
        pl.BlockSpec((_D, _D), lambda i: (0, 0)),
        pl.BlockSpec((1, _D), lambda i: (0, 0)),
    ],
    out_specs=pl.BlockSpec((_ROWS_BLK, _D), lambda i: (i, 0)),
    out_shape=jax.ShapeDtypeStruct((_V, _D), jnp.float32),
)


def _gather_body(y_hbm, idx_hbm, out_hbm, idx_v, buf, gsem):
    c = lax.axis_index("c")
    s = lax.axis_index("s")
    wid = s * _NC + c
    base = wid * _BPW
    pltpu.sync_copy(idx_hbm.at[wid], idx_v)

    def _chunk(j, carry):
        pltpu.async_copy(y_hbm.at[idx_v.at[j]], buf, gsem).wait()
        pltpu.sync_copy(buf, out_hbm.at[pl.ds(base + j * _CH, _CH)])
        return carry

    lax.fori_loop(0, _NCH, _chunk, 0)


@functools.lru_cache(maxsize=None)
def _make_gather():
    return functools.partial(
        pl.kernel,
        mesh=plsc.VectorSubcoreMesh(core_axis_name="c", subcore_axis_name="s"),
        out_type=jax.ShapeDtypeStruct((_B, _D), jnp.float32),
        scratch_types=[
            pltpu.VMEM((_NCH, _CH), jnp.int32),
            pltpu.VMEM((_CH, _D), jnp.float32),
            pltpu.SemaphoreType.DMA,
        ],
    )(_gather_body)


def kernel(timesteps, pos_encoding, W1, b1, W2, b2):
    y = _mlp(pos_encoding, W1, b1.reshape(1, _D), W2, b2.reshape(1, _D))
    idx = timesteps.astype(jnp.int32).reshape(_NW, _NCH, _CH)
    return _make_gather()(y, idx)

# --- scband reference (transcript-rebuilt; emitter-appended) ---
"""Pipeline reference for scband-timestep-embedder-26139170964320 (READ-ONLY COPY).

The authoritative reference and input builder live on the scoring server;
editing this copy changes nothing except your own understanding.
"""

import jax, jax.numpy as jnp
import numpy as np

LATENT_DIM = 512
MAX_LEN = 5000
BATCH = 16384


def make_pos_encoding(max_len, d):
    position = np.arange(max_len, dtype=np.float32)[:, None]
    div_term = np.exp(np.arange(0, d, 2, dtype=np.float32) * (-np.log(10000.0) / d))
    pe = np.zeros((max_len, d), dtype=np.float32)
    pe[:, 0::2] = np.sin(position * div_term)
    pe[:, 1::2] = np.cos(position * div_term)
    return jnp.asarray(pe)


def setup_inputs(seed: int = 0):
    key = jax.random.key(seed)
    k1, k2, k3, k4, k5 = jax.random.split(key, 5)
    timesteps = jax.random.randint(k1, (BATCH,), 0, MAX_LEN)
    pos_encoding = make_pos_encoding(MAX_LEN, LATENT_DIM)
    lim = 1.0 / np.sqrt(LATENT_DIM)
    W1 = jax.random.uniform(k2, (LATENT_DIM, LATENT_DIM), minval=-lim, maxval=lim, dtype=jnp.float32)
    b1 = jax.random.uniform(k3, (LATENT_DIM,), minval=-lim, maxval=lim, dtype=jnp.float32)
    W2 = jax.random.uniform(k4, (LATENT_DIM, LATENT_DIM), minval=-lim, maxval=lim, dtype=jnp.float32)
    b2 = jax.random.uniform(k5, (LATENT_DIM,), minval=-lim, maxval=lim, dtype=jnp.float32)
    return {"timesteps": timesteps, "pos_encoding": pos_encoding, "W1": W1, "b1": b1, "W2": W2, "b2": b2}


def reference(timesteps, pos_encoding, W1, b1, W2, b2):
    # pos_encoding[timesteps] -> gather rows of the sinusoidal table
    x = jnp.take(pos_encoding, timesteps, axis=0)  # [B, latent_dim]
    # nn.Linear -> x @ W.T + b
    h = x @ W1.T + b1
    h = h * jax.nn.sigmoid(h)  # SiLU
    out = h @ W2.T + b2
    return out

if __name__ == "__main__":
    import jax
    _d = setup_inputs()
    print(jax.jit(kernel)(*tuple(_d.values())))

</pallas_src>

<mosaic_0001>
#map = affine_map<(d0, d1) -> (0, 0)>
#map1 = affine_map<(d0, d1) -> (0, 0, 0)>
module attributes {stable_mosaic.version = 14 : i64} {
  func.func @_gather_body(%arg0: i32, %arg1: i32, %arg2: memref<5000x512xf32, #tpu.memory_space<hbm>>, %arg3: memref<32x4x128xi32, #tpu.memory_space<hbm>>, %arg4: memref<16384x512xf32, #tpu.memory_space<hbm>>, %arg5: memref<4x128xi32, #tpu.memory_space<vmem>>, %arg6: memref<128x512xf32, #tpu.memory_space<vmem>>, %arg7: memref<!tpu.dma_semaphore, #tpu.memory_space<semaphore_mem>>) attributes {dimension_semantics = [#tpu.dimension_semantics<core_parallel>, #tpu.dimension_semantics<subcore_parallel>], iteration_bounds = array<i64: 2, 16>, scalar_prefetch = 0 : i64, scratch_operands = 3 : i64, tpu.core_type = #tpu.core_type<sc_vector_subcore>, window_params = [{transform_indices = #map}, {transform_indices = #map1}, {transform_indices = #map}]} {
    %mul3A = arith.constant 2 : i32
    %mul3A_0 = arith.muli %arg1, %mul3A : i32
    %add3A = arith.addi %mul3A_0, %arg0 : i32
    %mul3A_1 = arith.constant 512 : i32
    %mul3A_2 = arith.muli %add3A, %mul3A_1 : i32
    "tpu.region"() ({
      %run_scoped3A = tpu.sem_alloc : memref<!tpu.dma_semaphore, #tpu.memory_space<semaphore_mem>>
      %dma_start3A = arith.constant 0 : i32
      %dma_start3A_8 = arith.constant 0 : i32
      %dma_start3A_9 = tpu.memref_slice %arg3[%add3A, %dma_start3A, %dma_start3A_8] : memref<32x4x128xi32, #tpu.memory_space<hbm>> -> memref<1x4x128xi32, #tpu.memory_space<hbm>>
      %dma_start3A_10 = tpu.memref_squeeze %dma_start3A_9 : memref<1x4x128xi32, #tpu.memory_space<hbm>> -> memref<4x128xi32, #tpu.memory_space<hbm>>
      %dma_start3A_11 = arith.constant 0 : i32
      %dma_start3A_12 = arith.constant 0 : i32
      %dma_start3A_13 = tpu.memref_slice %arg3[%add3A, %dma_start3A_11, %dma_start3A_12] : memref<32x4x128xi32, #tpu.memory_space<hbm>> -> memref<1x4x128xi32, #tpu.memory_space<hbm>>
      %dma_start3A_14 = tpu.memref_squeeze %dma_start3A_13 : memref<1x4x128xi32, #tpu.memory_space<hbm>> -> memref<4x128xi32, #tpu.memory_space<hbm>>
      tpu.enqueue_dma source(%dma_start3A_14 : memref<4x128xi32, #tpu.memory_space<hbm>>) target(%arg5 : memref<4x128xi32, #tpu.memory_space<vmem>>) target_semaphore(%run_scoped3A : memref<!tpu.dma_semaphore, #tpu.memory_space<semaphore_mem>>)
      %dma_wait3A = arith.constant 0 : i32
      %dma_wait3A_15 = arith.constant 0 : i32
      %dma_wait3A_16 = tpu.memref_slice %arg3[%add3A, %dma_wait3A, %dma_wait3A_15] : memref<32x4x128xi32, #tpu.memory_space<hbm>> -> memref<1x4x128xi32, #tpu.memory_space<hbm>>
      %dma_wait3A_17 = tpu.memref_squeeze %dma_wait3A_16 : memref<1x4x128xi32, #tpu.memory_space<hbm>> -> memref<4x128xi32, #tpu.memory_space<hbm>>
      %dma_wait3A_18 = arith.constant 0 : i32
      %dma_wait3A_19 = arith.constant 0 : i32
      %dma_wait3A_20 = tpu.memref_slice %arg3[%add3A, %dma_wait3A_18, %dma_wait3A_19] : memref<32x4x128xi32, #tpu.memory_space<hbm>> -> memref<1x4x128xi32, #tpu.memory_space<hbm>>
      %dma_wait3A_21 = tpu.memref_squeeze %dma_wait3A_20 : memref<1x4x128xi32, #tpu.memory_space<hbm>> -> memref<4x128xi32, #tpu.memory_space<hbm>>
      tpu.wait_dma2 semaphore(%run_scoped3A : memref<!tpu.dma_semaphore, #tpu.memory_space<semaphore_mem>>) src(%dma_wait3A_21 : memref<4x128xi32, #tpu.memory_space<hbm>>) dst(%arg5 : memref<4x128xi32, #tpu.memory_space<vmem>>)
      tpu.yield
    }) : () -> ()
    %scan3A = arith.constant 0 : i32
    %scan3A_3 = arith.constant 0 : i32
    %scan3A_4 = arith.constant 4 : i32
    %scan3A_5 = arith.addi %scan3A_3, %scan3A_4 : i32
    %scan3A_6 = arith.constant 1 : i32
    scf.for %scan3A_8 = %scan3A_3 to %scan3A_5 step %scan3A_6  : i32 {
      %dma_start3A = arith.constant 0 : i32
      %dma_start3A_9 = tpu.memref_slice %arg5[%scan3A_8, %dma_start3A] : memref<4x128xi32, #tpu.memory_space<vmem>> -> memref<1x128xi32, #tpu.memory_space<vmem>>
      %dma_start3A_10 = tpu.memref_squeeze %dma_start3A_9 : memref<1x128xi32, #tpu.memory_space<vmem>> -> memref<128xi32, #tpu.memory_space<vmem>>
      %dma_start3A_11 = arith.constant 0 : i32
      %dma_start3A_12 = arith.constant 0 : i32
      %dma_start3A_13 = tpu.memref_slice %arg2[%dma_start3A_11, %dma_start3A_12] : memref<5000x512xf32, #tpu.memory_space<hbm>> -> memref<5000x512xf32, #tpu.memory_space<hbm>>
      tpu.enqueue_indirect_dma source(%dma_start3A_13 : memref<5000x512xf32, #tpu.memory_space<hbm>>) target(%arg6 : memref<128x512xf32, #tpu.memory_space<vmem>>) offsets(%dma_start3A_10 : memref<128xi32, #tpu.memory_space<vmem>>) semaphore(%arg7 : memref<!tpu.dma_semaphore, #tpu.memory_space<semaphore_mem>>)
      %dma_wait3A = arith.constant 0 : i32
      %dma_wait3A_14 = tpu.memref_slice %arg5[%scan3A_8, %dma_wait3A] : memref<4x128xi32, #tpu.memory_space<vmem>> -> memref<1x128xi32, #tpu.memory_space<vmem>>
      %dma_wait3A_15 = tpu.memref_squeeze %dma_wait3A_14 : memref<1x128xi32, #tpu.memory_space<vmem>> -> memref<128xi32, #tpu.memory_space<vmem>>
      %dma_wait3A_16 = arith.constant 0 : i32
      %dma_wait3A_17 = arith.constant 0 : i32
      %dma_wait3A_18 = tpu.memref_slice %arg2[%dma_wait3A_16, %dma_wait3A_17] : memref<5000x512xf32, #tpu.memory_space<hbm>> -> memref<5000x512xf32, #tpu.memory_space<hbm>>
      tpu.wait_indirect_dma semaphore(%arg7 : memref<!tpu.dma_semaphore, #tpu.memory_space<semaphore_mem>>) src(%dma_wait3A_18 : memref<5000x512xf32, #tpu.memory_space<hbm>>) dst(%arg6 : memref<128x512xf32, #tpu.memory_space<vmem>>)
      %mul3A_19 = arith.constant 128 : i32
      %mul3A_20 = arith.muli %scan3A_8, %mul3A_19 : i32
      %add3A_21 = arith.addi %mul3A_2, %mul3A_20 : i32
      "tpu.region"() ({
        %run_scoped3A = tpu.sem_alloc : memref<!tpu.dma_semaphore, #tpu.memory_space<semaphore_mem>>
        %dma_start3A_22 = arith.constant 0 : i32
        %dma_start3A_23 = tpu.memref_slice %arg4[%add3A_21, %dma_start3A_22] : memref<16384x512xf32, #tpu.memory_space<hbm>> -> memref<128x512xf32, #tpu.memory_space<hbm>>
        %dma_start3A_24 = arith.constant 0 : i32
        %dma_start3A_25 = tpu.memref_slice %arg4[%add3A_21, %dma_start3A_24] : memref<16384x512xf32, #tpu.memory_space<hbm>> -> memref<128x512xf32, #tpu.memory_space<hbm>>
        tpu.enqueue_dma source(%arg6 : memref<128x512xf32, #tpu.memory_space<vmem>>) target(%dma_start3A_25 : memref<128x512xf32, #tpu.memory_space<hbm>>) target_semaphore(%run_scoped3A : memref<!tpu.dma_semaphore, #tpu.memory_space<semaphore_mem>>)
        %dma_wait3A_26 = arith.constant 0 : i32
        %dma_wait3A_27 = tpu.memref_slice %arg4[%add3A_21, %dma_wait3A_26] : memref<16384x512xf32, #tpu.memory_space<hbm>> -> memref<128x512xf32, #tpu.memory_space<hbm>>
        %dma_wait3A_28 = arith.constant 0 : i32
        %dma_wait3A_29 = tpu.memref_slice %arg4[%add3A_21, %dma_wait3A_28] : memref<16384x512xf32, #tpu.memory_space<hbm>> -> memref<128x512xf32, #tpu.memory_space<hbm>>
        tpu.wait_dma2 semaphore(%run_scoped3A : memref<!tpu.dma_semaphore, #tpu.memory_space<semaphore_mem>>) src(%arg6 : memref<128x512xf32, #tpu.memory_space<vmem>>) dst(%dma_wait3A_29 : memref<128x512xf32, #tpu.memory_space<hbm>>)
        tpu.yield
      }) : () -> ()
    }
    %scan3A_7 = arith.constant 4 : i32
    return
  }
}

module attributes {stable_mosaic.version = 14 : i64} {
  func.func @_mlp_body(%arg0: i32, %arg1: memref<2504x512xf32, #tpu.memory_space<vmem>>, %arg2: memref<512x512xf32, #tpu.memory_space<vmem>>, %arg3: memref<1x512xf32, #tpu.memory_space<vmem>>, %arg4: memref<512x512xf32, #tpu.memory_space<vmem>>, %arg5: memref<1x512xf32, #tpu.memory_space<vmem>>, %arg6: memref<2504x512xf32, #tpu.memory_space<vmem>>) attributes {dimension_semantics = [#tpu.dimension_semantics<arbitrary>], iteration_bounds = array<i64: 2>, scalar_prefetch = 0 : i64, scratch_operands = 0 : i64, tpu.core_type = #tpu.core_type<tc>, window_params = [{transform_indices = @transform_0, window_bounds = array<i64: 2504, 512>}, {pipeline_mode = #tpu.pipeline_mode<synchronous>, transform_indices = @transform_1, window_bounds = array<i64: 512, 512>}, {pipeline_mode = #tpu.pipeline_mode<synchronous>, transform_indices = @transform_2, window_bounds = array<i64: 1, 512>}, {pipeline_mode = #tpu.pipeline_mode<synchronous>, transform_indices = @transform_3, window_bounds = array<i64: 512, 512>}, {pipeline_mode = #tpu.pipeline_mode<synchronous>, transform_indices = @transform_4, window_bounds = array<i64: 1, 512>}, {transform_indices = @transform_5, window_bounds = array<i64: 2504, 512>}]} {
    %get3A = arith.constant 0 : index
    %get3A_0 = arith.constant 0 : index
    %get3A_1 = vector.load %arg1[%get3A, %get3A_0] : memref<2504x512xf32, #tpu.memory_space<vmem>>, vector<2504x512xf32>
    %get3A_2 = arith.constant 0 : index
    %get3A_3 = arith.constant 0 : index
    %get3A_4 = vector.load %arg2[%get3A_2, %get3A_3] : memref<512x512xf32, #tpu.memory_space<vmem>>, vector<512x512xf32>
    %dot_general3A = arith.constant dense<0.000000e+00> : vector<2504x512xf32>
    %dot_general3A_5 = tpu.matmul %get3A_1, %get3A_4, %dot_general3A {dimension_numbers = #tpu.dot_dimension_numbers<[1], [1], [0], [0], [0, 0, 1, 0], [], []>, transpose_lhs_hint = false} : vector<2504x512xf32>, vector<512x512xf32>, vector<2504x512xf32> -> vector<2504x512xf32>
    %get3A_6 = arith.constant 0 : index
    %get3A_7 = arith.constant 0 : index
    %get3A_8 = vector.load %arg3[%get3A_6, %get3A_7] : memref<1x512xf32, #tpu.memory_space<vmem>>, vector<1x512xf32>
    %add3A = vector.broadcast %get3A_8 : vector<1x512xf32> to vector<2504x512xf32>
    %add3A_9 = arith.addf %dot_general3A_5, %add3A : vector<2504x512xf32>
    %neg3A = arith.constant 0.000000e+00 : f32
    %neg3A_10 = vector.broadcast %neg3A : f32 to vector<2504x512xf32>
    %neg3A_11 = arith.subf %neg3A_10, %add3A_9 : vector<2504x512xf32>
    %exp3A = math.exp %neg3A_11 : vector<2504x512xf32>
    %add3A_12 = arith.constant 1.000000e+00 : f32
    %add3A_13 = vector.broadcast %add3A_12 : f32 to vector<2504x512xf32>
    %add3A_14 = arith.addf %add3A_13, %exp3A : vector<2504x512xf32>
    %div3A = arith.constant 1.000000e+00 : f32
    %div3A_15 = vector.broadcast %div3A : f32 to vector<2504x512xf32>
    %div3A_16 = arith.divf %div3A_15, %add3A_14 : vector<2504x512xf32>
    %mul3A = arith.mulf %add3A_9, %div3A_16 : vector<2504x512xf32>
    %get3A_17 = arith.constant 0 : index
    %get3A_18 = arith.constant 0 : index
    %get3A_19 = vector.load %arg4[%get3A_17, %get3A_18] : memref<512x512xf32, #tpu.memory_space<vmem>>, vector<512x512xf32>
    %dot_general3A_20 = arith.constant dense<0.000000e+00> : vector<2504x512xf32>
    %dot_general3A_21 = tpu.matmul %mul3A, %get3A_19, %dot_general3A_20 {dimension_numbers = #tpu.dot_dimension_numbers<[1], [1], [0], [0], [0, 0, 1, 0], [], []>, transpose_lhs_hint = false} : vector<2504x512xf32>, vector<512x512xf32>, vector<2504x512xf32> -> vector<2504x512xf32>
    %get3A_22 = arith.constant 0 : index
    %get3A_23 = arith.constant 0 : index
    %get3A_24 = vector.load %arg5[%get3A_22, %get3A_23] : memref<1x512xf32, #tpu.memory_space<vmem>>, vector<1x512xf32>
    %add3A_25 = vector.broadcast %get3A_24 : vector<1x512xf32> to vector<2504x512xf32>
    %add3A_26 = arith.addf %dot_general3A_21, %add3A_25 : vector<2504x512xf32>
    %swap3A = arith.constant 0 : index
    %swap3A_27 = arith.constant 0 : index
    %swap3A_28 = vector.load %arg6[%swap3A, %swap3A_27] : memref<2504x512xf32, #tpu.memory_space<vmem>>, vector<2504x512xf32>
    tpu.vector_store %arg6[%swap3A, %swap3A_27], %add3A_26 {strides = array<i32>} : memref<2504x512xf32, #tpu.memory_space<vmem>>, vector<2504x512xf32>,
    return
  }
  func.func @transform_0(%arg0: i32) -> (i32, i32) {
    %c0_i32 = arith.constant 0 : i32
    %c0_i32_0 = arith.constant 0 : i32
    return %arg0, %c0_i32 : i32, i32
  }
  func.func @transform_1(%arg0: i32) -> (i32, i32) {
    %c0_i32 = arith.constant 0 : i32
    %c0_i32_0 = arith.constant 0 : i32
    %c0_i32_1 = arith.constant 0 : i32
    return %c0_i32, %c0_i32_0 : i32, i32
  }
  func.func @transform_2(%arg0: i32) -> (i32, i32) {
    %c0_i32 = arith.constant 0 : i32
    %c0_i32_0 = arith.constant 0 : i32
    %c0_i32_1 = arith.constant 0 : i32
    return %c0_i32, %c0_i32_0 : i32, i32
  }
  func.func @transform_3(%arg0: i32) -> (i32, i32) {
    %c0_i32 = arith.constant 0 : i32
    %c0_i32_0 = arith.constant 0 : i32
    %c0_i32_1 = arith.constant 0 : i32
    return %c0_i32, %c0_i32_0 : i32, i32
  }
  func.func @transform_4(%arg0: i32) -> (i32, i32) {
    %c0_i32 = arith.constant 0 : i32
    %c0_i32_0 = arith.constant 0 : i32
    %c0_i32_1 = arith.constant 0 : i32
    return %c0_i32, %c0_i32_0 : i32, i32
  }
  func.func @transform_5(%arg0: i32) -> (i32, i32) {
    %c0_i32 = arith.constant 0 : i32
    %c0_i32_0 = arith.constant 0 : i32
    return %arg0, %c0_i32 : i32, i32
  }
}

</mosaic_0001>

<sc_bundles>
// kernel: kernel.4.cloned.1.call-start
scs
__scs_entry_jumppad:
0x0: {  	(pc) =	sbr.rel $0x88, $3  }
0x1: {  	(tag) =	ssettag $0x0;
	lr =	simm.s32 $0x1  }
0x2: {  	[smem:$0x3F9B] =	sst lr;
	_ =	strace $0xD0000000  }
0x3: {  	_ = 	snop  }
0x4: {  	_ = 	snop  }
0x5: {  	_ = 	snop  }
0x6: {  	_ = 	snop  }
0x7: {  	_ = 	snop  }
__scs_overlays_trampoline_lowered:
0x8: {  	[smem:$0x3FAA] =	sst s0  }
0x9: {  	[smem:$0x3FAB] =	sst s1  }
0xa: {  	[smem:$0x3FAC] =	sst s2  }
0xb: {  	[smem:$0x3FAD] =	sst s3  }
0xc: {  	[smem:$0x3FAE] =	sst s4  }
0xd: {  	[smem:$0x3FAF] =	sst s5  }
0xe: {  	[smem:$0x3FB0] =	sst s6  }
0xf: {  	[smem:$0x3FB1] =	sst s7  }
0x10: {  	[smem:$0x3FB2] =	sst s8  }
0x11: {  	[smem:$0x3FB3] =	sst s9;
	s0 =	simm.s32 @!p0 $0x0  }
0x12: {  	s1 =	sld [smem:$0x3F99];
	s0 =	simm.s32 @p0 $0x1  }
0x13: {  	[smem:$0x3FB4] =	sst s0;
	s0 =	simm.s32 @!p1 $0x0  }
0x14: {  	s2 =	sld [smem:$0x3F98];
	s0 =	simm.s32 @p1 $0x1  }
0x15: {  	[smem:$0x3FB5] =	sst s0;
	s0 =	simm.s32 @!p2 $0x0  }
0x16: {  	s3 =	sld [smem:$0x3FDB];
	s0 =	simm.s32 @p2 $0x1  }
0x17: {  	s4 =	simm.s32 $0x1BF5;
	[smem:$0x3FB7] =	sst s0  }
0x18: {  	s0 =	sld [smem:$0x3F9A];
	_ =	swait.ge [sflag:s4], $0x0  }
0x19: {  	s7 =	sld [smem:$0x3F9B]  }
0x1a: {  	s8 =	sadd.s32 $0xFFFFE003, lr  }
0x1b: {  	s9 =	sadd.s32 $0xFFFFFEF7, lr;
	s5 =	simm.s32 $0xFFFFFFFF;
	p2 =	slt.u32 s8, $0xFFFFF086  }
0x1c: {  	p1 =	slt.u32 s9, $0xF7A;
	s5 =	simm.s32 @!p2 $0x0  }
0x1d: {  	s5 =	simm.s32 @p1 $0x1;
	p0 =	seq.s32 s7, s2  }
0x1e: {  	s7 =	smul.u32 @!p0 $0xF7A, s2;
	p2 =	seq.s32 @!p0 s5, $0x0  }
0x1f: {  	s9 =	smul.u32 $0xF7A, s1;
	s8 =	simm.s32 @!p0 $0x1BF5;
	p2 =	por !p2, p0  }
0x20: {  	[sflag:s8] =	ssyncset.s32 @!p0 $0xFFFFF086;
	s6 =	sadd.s32 @!p0 s3, s7;
	s7 =	simm.s32 @!p0 $0x108  }
0x21: {  	s3 =	sadd.s32 s3, s9;
	s6 =	sadd.s32 @!p0 $0x88, s6;
	s7 =	simm.s32 @p2 $0x1082  }
0x22: {  	[simem:s7], [sflag:s8] =	dma.local @!p0 [hbm:s6], $0xF7A  }
0x23: {  	s9 =	sor.u32 $0xD0000000, s2;
	s6 =	simm.s32 $0x108;
	_ =	swait.ge @!p0 [sflag:s8], $0x0  }
0x24: {  	s3 =	sadd.s32 $0x88, s3;
	s6 =	simm.s32 @!p1 $0x1082;
	[sflag:s4] =	ssyncset.s32 $0xFFFFF086  }
0x25: {  	[simem:s6], [sflag:s4] =	dma.local [hbm:s3], $0xF7A  }
0x26: {  	[smem:$0x3F9B] =	sst s1;
	(tag) =	ssettag s2;
	_ =	strace s9  }
0x27: {  	s1 =	sld [smem:$0x3FAB]  }
0x28: {  	s2 =	sld [smem:$0x3FAC]  }
0x29: {  	s4 =	sld [smem:$0x3FAE]  }
0x2a: {  	p0 =	seq.s32 s5, $0x0;
	s5 =	sld [smem:$0x3FAF]  }
0x2b: {  	s6 =	sld [smem:$0x3FB0]  }
0x2c: {  	s7 =	sld [smem:$0x3FB1]  }
0x2d: {  	s3 =	simm.s32 $0x108;
	s8 =	sld [smem:$0x3FB2]  }
0x2e: {  	s3 =	simm.s32 @!p0 $0x1082;
	s9 =	sld [smem:$0x3FB3]  }
0x2f: {  	lr =	sadd.s32 s0, s3;
	s0 =	sld [smem:$0x3FAA]  }
0x30: {  	s3 =	sld [smem:$0x3FAD]  }
0x31: {  	[smem:$0x3FB6] =	sst s10  }
0x32: {  	s10 =	sld [smem:$0x3FB4];
	_ =	sdelay $0x3  }
0x33: {  	p0 =	seq.s32 s10, $0x1;
	s10 =	sld [smem:$0x3FB6];
	_ =	sdelay $0x3  }
0x34: {  	[smem:$0x3FB6] =	sst s10  }
0x35: {  	s10 =	sld [smem:$0x3FB5];
	_ =	sdelay $0x3  }
0x36: {  	p1 =	seq.s32 s10, $0x1;
	s10 =	sld [smem:$0x3FB6];
	_ =	sdelay $0x3  }
0x37: {  	[smem:$0x3FB6] =	sst s10  }
0x38: {  	s10 =	sld [smem:$0x3FB7]  }
0x39: {  	_ = 	snop;
	(pc) =	sbr.ind lr, $3  }
0x3a: {  	_ = 	snop  }
0x3b: {  	_ = 	snop  }
0x3c: {  	p2 =	seq.s32 s10, $0x1;
	s10 =	sld [smem:$0x3FB6]  }
0x3d: {  	_ =	shalt  }
0x3e: {  	_ =	shalt  }
0x3f: {  	_ =	shalt  }
0x40: {  	_ =	shalt  }
0x41: {  	_ =	shalt  }
0x42: {  	_ =	shalt  }
0x43: {  	_ =	shalt  }
0x44: {  	_ =	shalt  }
0x45: {  	_ =	shalt  }
0x46: {  	_ =	shalt  }
0x47: {  	_ =	shalt  }
0x48: {  	_ =	shalt  }
0x49: {  	_ =	shalt  }
0x4a: {  	_ =	shalt  }
0x4b: {  	_ =	shalt  }
0x4c: {  	_ =	shalt  }
0x4d: {  	_ =	shalt  }
0x4e: {  	_ =	shalt  }
0x4f: {  	_ =	shalt  }
0x50: {  	_ =	shalt  }
0x51: {  	_ =	shalt  }
0x52: {  	_ =	shalt  }
0x53: {  	_ =	shalt  }
0x54: {  	_ =	shalt  }
0x55: {  	_ =	shalt  }
0x56: {  	_ =	shalt  }
0x57: {  	_ =	shalt  }
0x58: {  	_ =	shalt  }
0x59: {  	_ =	shalt  }
0x5a: {  	_ =	shalt  }
0x5b: {  	_ =	shalt  }
0x5c: {  	_ =	shalt  }
0x5d: {  	_ =	shalt  }
0x5e: {  	_ =	shalt  }
0x5f: {  	_ =	shalt  }
0x60: {  	_ =	shalt  }
0x61: {  	_ =	shalt  }
0x62: {  	_ =	shalt  }
0x63: {  	_ =	shalt  }
0x64: {  	_ =	shalt  }
0x65: {  	_ =	shalt  }
0x66: {  	_ =	shalt  }
0x67: {  	_ =	shalt  }
0x68: {  	_ =	shalt  }
0x69: {  	_ =	shalt  }
0x6a: {  	_ =	shalt  }
0x6b: {  	_ =	shalt  }
0x6c: {  	_ =	shalt  }
0x6d: {  	_ =	shalt  }
0x6e: {  	_ =	shalt  }
0x6f: {  	_ =	shalt  }
0x70: {  	_ =	shalt  }
0x71: {  	_ =	shalt  }
0x72: {  	_ =	shalt  }
0x73: {  	_ =	shalt  }
0x74: {  	_ =	shalt  }
0x75: {  	_ =	shalt  }
0x76: {  	_ =	shalt  }
0x77: {  	_ =	shalt  }
0x78: {  	_ =	shalt  }
0x79: {  	_ =	shalt  }
0x7a: {  	_ =	shalt  }
0x7b: {  	_ =	shalt  }
0x7c: {  	_ =	shalt  }
0x7d: {  	_ =	shalt  }
0x7e: {  	_ =	shalt  }
0x7f: {  	_ =	shalt  }
0x80: {  	_ =	shalt  }
0x81: {  	_ =	shalt  }
0x82: {  	_ =	shalt  }
0x83: {  	_ =	shalt  }
0x84: {  	_ =	shalt  }
0x85: {  	_ =	shalt  }
0x86: {  	_ =	shalt  }
0x87: {  	_ =	shalt  }
.Lfunc_end0:
.L_simem_size_0:
called_computation_lowered:
.L_overlay_start_0:
0x88: {  	s2 =	sld [smem:$0x3FD9]  }
0x89: {  	s3 =	sld [smem:$0x3FFE];
	_ =	sdelay $0x1  }
0x8a: {  	s1 =	srdreg.scid  }
0x8b: {  	s0 =	sand.u32 $0x1, s1  }
0x8c: {  	s17 =	sshll.u32 s0, $0xA;
	s2 =	sadd.s32 s3, s2  }
0x8d: {  	s2 =	sadd.s32 s2, s17  }
0x8e: {  	[smem:$0x3FC2] =	sst s2  }
0x8f: {  	_ = 	snop  }
0x90: {  	s2 =	sld [smem:$0x3FC9]  }
0x91: {  	s18 =	sld [smem:$0x3FD0];
	(tm) =	ssettm $0x1  }
0x92: {  	s4 =	sld [smem:$0x3FFB];
	_ =	sdelay $0x3  }
0x93: {  	_ =	strace s4  }
0x94: {  	s4 =	sld [smem:$0x3FFC];
	_ =	sdelay $0x3  }
0x95: {  	_ =	strace s4  }
0x96: {  	s4 =	sld [smem:$0x3FFD];
	_ =	sdelay $0x3  }
0x97: {  	_ =	strace s4  }
0x98: {  	_ =	strace $0x8FFFFFFF  }
0x99: {  	s19 =	sld [smem:$0x3FDB];
	_ =	sdelay $0x1  }
0x9a: {  	s5 =	simm.s32 $_scs_section_size  }
0x9b: {  	s6 =	simm.s32 $_size__tile_overlayer_lowered;
	s7 =	simm.s32 $_tile_overlayer_lowered  }
0x9c: {  	s22 =	simm.s32 $0x1BFF;
	s21 =	sshll.u32 s7, $0x1;
	s4 =	sadd.s32 s5, s19  }
0x9d: {  	s8 =	simm.s32 $0x0;
	s20 =	sshll.u32 s6, $0x1;
	s6 =	sadd.s32 s21, s4  }
0x9e: {  	[timem:s8], [sflag:s22] =	dma.local [hbm:s6], s20  }
0x9f: {  	_ =	swait.ge [sflag:s22], s20  }
0xa0: {  	s5 =	ssub.s32 $0x0, s20;
	[sflag:s22] =	ssyncset.done $0x0  }
0xa1: {  	[sflag:s22] =	ssyncadd.s32 s5;
	_ =	sdelay $0x1  }
0xa2: {  	s23 =	simm.s32 $0x1B8B  }
0xa3: {  	_ =	swait.ge [sflag:s23], $0x1  }
0xa4: {  	[sflag:s23] =	ssyncset.done $0x0  }
0xa5: {  	s25 =	simm.s32 $0x1B8E;
	s24 =	sld [smem:$0x3FFE];
	[sflag:s23] =	ssyncadd.s32 $0xFFFFFFFF  }
0xa6: {  	s26 =	simm.s32 $execute0_lowered;
	[smem:$0x3FD2] =	sst s25  }
0xa7: {  	s6 =	sshll.u32 s26, $0x1;
	_ =	strace $0x80000046;
	[dreg:$0x1] =	wrdreg $0xFFFFFFFF  }
0xa8: {  	s28 =	simm.s32 $_size_execute0_lowered;
	s4 =	sadd.s32 s4, s6;
	[dreg:$0x0] =	wrdreg $0x0  }
0xa9: {  	s6 =	sshll.u32 s28, $0x1;
	[dreg:$0x2] =	wrdreg s4  }
0xaa: {  	[dreg:$0x3] =	wrdreg s6  }
0xab: {  	[dreg:$0x4] =	wrdreg $0xC0  }
0xac: {  	_ =	task [dreg:s8], $0x5FFFF  }
0xad: {  	[dreg:$0x1] =	wrdreg $0xFFFFFFFF  }
0xae: {  	[dreg:$0x0] =	wrdreg $0x60  }
0xaf: {  	[dreg:$0x2] =	wrdreg s24  }
0xb0: {  	[dreg:$0x3] =	wrdreg s2  }
0xb1: {  	[dreg:$0x4] =	wrdreg s18  }
0xb2: {  	[dreg:$0x5] =	wrdreg $0x9  }
0xb3: {  	_ =	task.clear_ibuf [dreg:s8], $0x6FFFF;
	_ =	strace $0x90000046  }
0xb4: {  	s29 =	simm.s32 $0x9;
	_ =	strace $0x80000048  }
0xb5: {  	_ =	swait.ge [sflag:s29], $0x1  }
0xb6: {  	[sflag:s29] =	ssyncadd.s32 $0xFFFFFFFF  }
0xb7: {  	_ =	strace $0x90000048  }
0xb8: {  	_ =	sfence  }
0xb9: {  	s30 =	sld [smem:$0x0];
	_ =	sdelay $0x2  }
0xba: {  	s31 =	sshll.u32 s1, $0xD;
	s1 =	sshrl.u32 s1, $0x2  }
0xbb: {  	s3 =	sand.u32 $0x4000, s31;
	s1 =	sadd.s32 s1, s30  }
0xbc: {  	s0 =	sor.u32 s3, s0;
	s1 =	sshll.u32 s1, $0x11  }
0xbd: {  	s0 =	sor.u32 s1, s0  }
0xbe: {  	s0 =	sadd.s32 $0x8F2B, s0  }
0xbf: {  	[sflag:s0] =	ssyncadd.remote.s32 $0x1  }
0xc0: {  	_ =	sfence.sel $0xFFFF  }
0xc1: {  	[dreg:$0x0] =	wrdreg $0xFFFFFFFF;
	(pc) =	sbr.abs _section_cstart, $3  }
0xc2: {  	[dreg:$0x1] =	wrdreg $0xFFFFFFFF  }
0xc3: {  	_ =	task.clear_ibuf [dreg:s8], $0x2FFFF;
	_ =	strace $0x9FFFFFFF  }
0xc4: {  	(tm) =	ssettm $0x7FFFFFFF  }
0xc5: {  	_ =	shalt  }
tec
execute0_lowered:
.L_overlay_start_1:
0x0: {  	(tag) =	ssettag $0x1  }
0x1: {  	s0 =	rddreg [dreg:$0x0]  }
0x2: {  	s1 =	rddreg [dreg:$0x1]  }
0x3: {  	s3 =	rddreg [dreg:$0x2];
	s4 =	srdreg.scid  }
0x4: {  	s8 =	stileid.u32;
	s2 =	simm.s32 $0x0;
	s14 =	simm.s32 $0xA00  }
0x5: {  	s15 =	simm.s32 $0x1200;
	s16 =	simm.s32 $0x1A00;
	s18 =	simm.s32 $0x2200  }
0x6: {  	s19 =	simm.s32 $0x2A00;
	s20 =	simm.s32 $0x3200;
	s21 =	simm.s32 $0x3A00  }
0x7: {  	s22 =	simm.s32 $0x4200;
	s23 =	simm.s32 $0x4A00;
	[smem:$0x7FF] =	sst s2  }
0x8: {  	s25 =	simm.s32 $0x5200;
	_ =	strace $0x80000047;
	[dreg:$0x5] =	wrdreg s14  }
0x9: {  	s26 =	simm.s32 $0x5A00;
	s9 =	simm.s32 $0x6200;
	[dreg:$0x6] =	wrdreg s15  }
0xa: {  	s10 =	simm.s32 $0x6A00;
	s11 =	simm.s32 $0x7200;
	[dreg:$0x7] =	wrdreg s16  }
0xb: {  	s12 =	simm.s32 $0x7A00;
	s28 =	simm.s32 $0xF200;
	[dreg:$0x8] =	wrdreg s18  }
0xc: {  	s29 =	simm.s32 $0xFA00;
	s30 =	simm.s32 $0x1;
	[dreg:$0x9] =	wrdreg s19  }
0xd: {  	s31 =	simm.s32 $0x0;
	s4 =	sand.u32 $0x1, s4;
	[dreg:$0xa] =	wrdreg s20  }
0xe: {  	s5 =	sshll.u32 s8, $0x10;
	s17 =	sshll.u32 s8, $0xA;
	[dreg:$0xb] =	wrdreg s21  }
0xf: {  	s8 =	simm.s32 $0x200;
	s5 =	sadd.s32 s5, s3;
	[dreg:$0xc] =	wrdreg s22  }
0x10: {  	s6 =	sshll.u32 s4, $0xF;
	s3 =	sadd.s32 $0x1000, s0;
	[dreg:$0xd] =	wrdreg s23  }
0x11: {  	s13 =	ssub.s32 $0x2, s4;
	s4 =	sshll.u32 s4, $0x9;
	[dreg:$0xe] =	wrdreg s25  }
0x12: {  	[dreg:$0xf] =	wrdreg s26;
	s14 =	simm.s32 $0x8A00;
	s15 =	simm.s32 $0x9200  }
0x13: {  	s16 =	simm.s32 $0x9A00;
	s18 =	simm.s32 $0xAA00;
	s19 =	simm.s32 $0xB200  }
0x14: {  	s20 =	simm.s32 $0xBA00;
	s21 =	simm.s32 $0xC200;
	s22 =	simm.s32 $0xCA00  }
0x15: {  	s23 =	simm.s32 $0xD200;
	s25 =	simm.s32 $0xE200;
	s26 =	simm.s32 $0xEA00  }
0x16: {  	s5 =	sadd.s32 s6, s5;
	s7 =	sshrl.u32 s13, $0x1;
	s4 =	sor.u32 s4, s17  }
0x17: {  	s17 =	simm.s32 $0xA200;
	[dreg:$0x4] =	wrdreg s5;
	s4 =	sshrl.u32 s4, $0x3  }
0x18: {  	v2 =	vlaneseq.u32;
	s6 =	ssub.s32 s13, s7;
	s5 =	sadd.s32 $0x1100, s0;
	s1 =	sadd.s32 s1, s4  }
0x19: {  	vm0 =	vmmov $0xffff;
	v1 =	vshrl.u32 v2, $0x3;
	s7 =	simm.s32 $0x2;
	s24 =	smax.u32 s6, $0x1;
	[dreg:$0x10] =	wrdreg s1  }
0x1a: {  	v0 =	vand.u32 $0x7, v2;
	v2 =	vor.u32 $0x8, v2;
	v1 =	vmul.u32 $0x8, v1;
	s13 =	simm.s32 $0x8200;
	[dreg:$0x11] =	wrdreg s24;
	s24 =	simm.s32 $0xDA00  }
.LBB2_1:
0x1b: {  	s0 =	rddreg [dreg:$0x10]  }
0x1c: {  	[tilespmem:s2], [sflag:$0x2] =	stream.linear.gather [hbm4b:s0+s2], $0x200, $0x38;
	[tilespmem:$0x10200] =	vst v63  }
0x1d: {  	_ =	swait.ge [sflag:s7], $0x200  }
0x1e: {  	[sflag:s7] =	ssyncset.done $0x0  }
0x1f: {  	s1 =	simm.s32 $0x0;
	s0 =	simm.s32 $0x40;
	[sflag:s7] =	ssyncadd.s32 $0xFFFFFE00  }
.LBB2_2:
0x20: {  	v3 =	vld [tilespmem:s0+$0xFFFFFFC0];
	_ =	sdelay $0x4  }
0x21: {  	v4 =	vshll.u32 v3, $0x2  }
0x22: {  	v3 =	vand.u32 $0x7, v3;
	v4 =	vand.u32 $0xFFFFFFE0, v4  }
0x23: {  	v3 =	vor.u32 v3, v4  }
0x24: {  	v4 =	vperm.xlane v3, v0;
	_ =	sdelay $0x1  }
0x25: {  	v4 =	vadd.s32 v1, v4;
	_ =	sdelay $0x1  }
0x26: {  	v3 =	vperm.xlane v3, v2;
	_ =	sdelay $0x1  }
0x27: {  	v3 =	vadd.s32 v1, v3  }
0x28: {  	[tilespmem:s8], [sflag:$0x1] =	stream.indirect_vreg.gather [hbm4b:s3+s2], $0x80, v4, vm0, $0xb8;
	[tilespmem:$0x10200] =	vst v63  }
0x29: {  	s4 =	rddreg [dreg:$0x5]  }
0x2a: {  	[tilespmem:s4], [sflag:$0x1] =	stream.indirect_vreg.gather [hbm4b:s5+s2], $0x80, v4, vm0, $0xb8;
	[tilespmem:$0x10200] =	vst v63  }
0x2b: {  	s6 =	rddreg [dreg:$0x6]  }
0x2c: {  	[tilespmem:s6], [sflag:$0x1] =	stream.indirect_vreg.gather [hbm4b:s3+s2], $0x80, v3, vm0, $0xb8;
	[tilespmem:$0x10200] =	vst v63  }
0x2d: {  	s4 =	rddreg [dreg:$0x7]  }
0x2e: {  	[tilespmem:s4], [sflag:$0x1] =	stream.indirect_vreg.gather [hbm4b:s5+s2], $0x80, v3, vm0, $0xb8;
	[tilespmem:$0x10200] =	vst v63  }
0x2f: {  	v3 =	vld [tilespmem:s0+$0xFFFFFFD0];
	_ =	sdelay $0x4  }
0x30: {  	v57 =	vshll.u32 v3, $0x2  }
0x31: {  	v3 =	vand.u32 $0x7, v3;
	v4 =	vand.u32 $0xFFFFFFE0, v57  }
0x32: {  	v3 =	vor.u32 v3, v4  }
0x33: {  	v4 =	vperm.xlane v3, v0;
	_ =	sdelay $0x1  }
0x34: {  	v4 =	vadd.s32 v1, v4;
	_ =	sdelay $0x1  }
0x35: {  	v3 =	vperm.xlane v3, v2;
	_ =	sdelay $0x1  }
0x36: {  	s4 =	rddreg [dreg:$0x8];
	v3 =	vadd.s32 v1, v3  }
0x37: {  	[tilespmem:s4], [sflag:$0x1] =	stream.indirect_vreg.gather [hbm4b:s3+s2], $0x80, v4, vm0, $0xb8;
	[tilespmem:$0x10200] =	vst v63  }
0x38: {  	s6 =	rddreg [dreg:$0x9]  }
0x39: {  	[tilespmem:s6], [sflag:$0x1] =	stream.indirect_vreg.gather [hbm4b:s5+s2], $0x80, v4, vm0, $0xb8;
	[tilespmem:$0x10200] =	vst v63  }
0x3a: {  	s4 =	rddreg [dreg:$0xa]  }
0x3b: {  	[tilespmem:s4], [sflag:$0x1] =	stream.indirect_vreg.gather [hbm4b:s3+s2], $0x80, v3, vm0, $0xb8;
	[tilespmem:$0x10200] =	vst v63  }
0x3c: {  	s6 =	rddreg [dreg:$0xb]  }
0x3d: {  	[tilespmem:s6], [sflag:$0x1] =	stream.indirect_vreg.gather [hbm4b:s5+s2], $0x80, v3, vm0, $0xb8;
	[tilespmem:$0x10200] =	vst v63  }
0x3e: {  	v3 =	vld [tilespmem:s0+$0xFFFFFFE0];
	_ =	sdelay $0x4  }
0x3f: {  	v58 =	vshll.u32 v3, $0x2  }
0x40: {  	v3 =	vand.u32 $0x7, v3;
	v4 =	vand.u32 $0xFFFFFFE0, v58  }
0x41: {  	v3 =	vor.u32 v3, v4  }
0x42: {  	v4 =	vperm.xlane v3, v0;
	_ =	sdelay $0x1  }
0x43: {  	v4 =	vadd.s32 v1, v4;
	_ =	sdelay $0x1  }
0x44: {  	v3 =	vperm.xlane v3, v2;
	_ =	sdelay $0x1  }
0x45: {  	s4 =	rddreg [dreg:$0xc];
	v3 =	vadd.s32 v1, v3  }
0x46: {  	[tilespmem:s4], [sflag:$0x1] =	stream.indirect_vreg.gather [hbm4b:s3+s2], $0x80, v4, vm0, $0xb8;
	[tilespmem:$0x10200] =	vst v63  }
0x47: {  	s6 =	rddreg [dreg:$0xd]  }
0x48: {  	[tilespmem:s6], [sflag:$0x1] =	stream.indirect_vreg.gather [hbm4b:s5+s2], $0x80, v4, vm0, $0xb8;
	[tilespmem:$0x10200] =	vst v63  }
0x49: {  	s4 =	rddreg [dreg:$0xe]  }
0x4a: {  	[tilespmem:s4], [sflag:$0x1] =	stream.indirect_vreg.gather [hbm4b:s3+s2], $0x80, v3, vm0, $0xb8;
	[tilespmem:$0x10200] =	vst v63  }
0x4b: {  	s6 =	rddreg [dreg:$0xf]  }
0x4c: {  	[tilespmem:s6], [sflag:$0x1] =	stream.indirect_vreg.gather [hbm4b:s5+s2], $0x80, v3, vm0, $0xb8;
	[tilespmem:$0x10200] =	vst v63  }
0x4d: {  	v3 =	vld [tilespmem:s0+$0xFFFFFFF0];
	_ =	sdelay $0x4  }
0x4e: {  	v59 =	vshll.u32 v3, $0x2  }
0x4f: {  	v3 =	vand.u32 $0x7, v3;
	v4 =	vand.u32 $0xFFFFFFE0, v59  }
0x50: {  	v3 =	vor.u32 v3, v4  }
0x51: {  	v4 =	vperm.xlane v3, v0;
	_ =	sdelay $0x1  }
0x52: {  	v4 =	vadd.s32 v1, v4;
	_ =	sdelay $0x1  }
0x53: {  	v3 =	vperm.xlane v3, v2;
	_ =	sdelay $0x1  }
0x54: {  	v3 =	vadd.s32 v1, v3  }
0x55: {  	[tilespmem:s9], [sflag:$0x1] =	stream.indirect_vreg.gather [hbm4b:s3+s2], $0x80, v4, vm0, $0xb8;
	[tilespmem:$0x10200] =	vst v63  }
0x56: {  	_ = 	snop  }
0x57: {  	[tilespmem:s10], [sflag:$0x1] =	stream.indirect_vreg.gather [hbm4b:s5+s2], $0x80, v4, vm0, $0xb8;
	[tilespmem:$0x10200] =	vst v63  }
0x58: {  	_ = 	snop  }
0x59: {  	[tilespmem:s11], [sflag:$0x1] =	stream.indirect_vreg.gather [hbm4b:s3+s2], $0x80, v3, vm0, $0xb8;
	[tilespmem:$0x10200] =	vst v63  }
0x5a: {  	_ = 	snop  }
0x5b: {  	[tilespmem:s12], [sflag:$0x1] =	stream.indirect_vreg.gather [hbm4b:s5+s2], $0x80, v3, vm0, $0xb8;
	[tilespmem:$0x10200] =	vst v63  }
0x5c: {  	v3 =	vld [tilespmem:s0+$0x0];
	_ =	sdelay $0x4  }
0x5d: {  	v60 =	vshll.u32 v3, $0x2  }
0x5e: {  	v3 =	vand.u32 $0x7, v3;
	v4 =	vand.u32 $0xFFFFFFE0, v60  }
0x5f: {  	v3 =	vor.u32 v3, v4  }
0x60: {  	v4 =	vperm.xlane v3, v0;
	_ =	sdelay $0x1  }
0x61: {  	v4 =	vadd.s32 v1, v4;
	_ =	sdelay $0x1  }
0x62: {  	v3 =	vperm.xlane v3, v2;
	_ =	sdelay $0x1  }
0x63: {  	v3 =	vadd.s32 v1, v3  }
0x64: {  	[tilespmem:s13], [sflag:$0x1] =	stream.indirect_vreg.gather [hbm4b:s3+s2], $0x80, v4, vm0, $0xb8;
	[tilespmem:$0x10200] =	vst v63  }
0x65: {  	_ = 	snop  }
0x66: {  	[tilespmem:s14], [sflag:$0x1] =	stream.indirect_vreg.gather [hbm4b:s5+s2], $0x80, v4, vm0, $0xb8;
	[tilespmem:$0x10200] =	vst v63  }
0x67: {  	_ = 	snop  }
0x68: {  	[tilespmem:s15], [sflag:$0x1] =	stream.indirect_vreg.gather [hbm4b:s3+s2], $0x80, v3, vm0, $0xb8;
	[tilespmem:$0x10200] =	vst v63  }
0x69: {  	_ = 	snop  }
0x6a: {  	[tilespmem:s16], [sflag:$0x1] =	stream.indirect_vreg.gather [hbm4b:s5+s2], $0x80, v3, vm0, $0xb8;
	[tilespmem:$0x10200] =	vst v63  }
0x6b: {  	v3 =	vld [tilespmem:s0+$0x10];
	_ =	sdelay $0x4  }
0x6c: {  	v61 =	vshll.u32 v3, $0x2  }
0x6d: {  	v3 =	vand.u32 $0x7, v3;
	v4 =	vand.u32 $0xFFFFFFE0, v61  }
0x6e: {  	v3 =	vor.u32 v3, v4  }
0x6f: {  	v4 =	vperm.xlane v3, v0;
	_ =	sdelay $0x1  }
0x70: {  	v4 =	vadd.s32 v1, v4;
	_ =	sdelay $0x1  }
0x71: {  	v3 =	vperm.xlane v3, v2;
	_ =	sdelay $0x1  }
0x72: {  	v3 =	vadd.s32 v1, v3  }
0x73: {  	[tilespmem:s17], [sflag:$0x1] =	stream.indirect_vreg.gather [hbm4b:s3+s2], $0x80, v4, vm0, $0xb8;
	[tilespmem:$0x10200] =	vst v63  }
0x74: {  	_ = 	snop  }
0x75: {  	[tilespmem:s18], [sflag:$0x1] =	stream.indirect_vreg.gather [hbm4b:s5+s2], $0x80, v4, vm0, $0xb8;
	[tilespmem:$0x10200] =	vst v63  }
0x76: {  	_ = 	snop  }
0x77: {  	[tilespmem:s19], [sflag:$0x1] =	stream.indirect_vreg.gather [hbm4b:s3+s2], $0x80, v3, vm0, $0xb8;
	[tilespmem:$0x10200] =	vst v63  }
0x78: {  	_ = 	snop  }
0x79: {  	[tilespmem:s20], [sflag:$0x1] =	stream.indirect_vreg.gather [hbm4b:s5+s2], $0x80, v3, vm0, $0xb8;
	[tilespmem:$0x10200] =	vst v63  }
0x7a: {  	v3 =	vld [tilespmem:s0+$0x20];
	_ =	sdelay $0x4  }
0x7b: {  	v62 =	vshll.u32 v3, $0x2  }
0x7c: {  	v3 =	vand.u32 $0x7, v3;
	v4 =	vand.u32 $0xFFFFFFE0, v62  }
0x7d: {  	v3 =	vor.u32 v3, v4  }
0x7e: {  	v4 =	vperm.xlane v3, v0;
	_ =	sdelay $0x1  }
0x7f: {  	v4 =	vadd.s32 v1, v4;
	_ =	sdelay $0x1  }
0x80: {  	v3 =	vperm.xlane v3, v2;
	_ =	sdelay $0x1  }
0x81: {  	v3 =	vadd.s32 v1, v3  }
0x82: {  	[tilespmem:s21], [sflag:$0x1] =	stream.indirect_vreg.gather [hbm4b:s3+s2], $0x80, v4, vm0, $0xb8;
	[tilespmem:$0x10200] =	vst v63  }
0x83: {  	_ = 	snop  }
0x84: {  	[tilespmem:s22], [sflag:$0x1] =	stream.indirect_vreg.gather [hbm4b:s5+s2], $0x80, v4, vm0, $0xb8;
	[tilespmem:$0x10200] =	vst v63  }
0x85: {  	_ = 	snop  }
0x86: {  	[tilespmem:s23], [sflag:$0x1] =	stream.indirect_vreg.gather [hbm4b:s3+s2], $0x80, v3, vm0, $0xb8;
	[tilespmem:$0x10200] =	vst v63  }
0x87: {  	_ = 	snop  }
0x88: {  	[tilespmem:s24], [sflag:$0x1] =	stream.indirect_vreg.gather [hbm4b:s5+s2], $0x80, v3, vm0, $0xb8;
	[tilespmem:$0x10200] =	vst v63  }
0x89: {  	v3 =	vld [tilespmem:s0+$0x30];
	_ =	sdelay $0x4  }
0x8a: {  	v63 =	vshll.u32 v3, $0x2  }
0x8b: {  	v3 =	vand.u32 $0x7, v3;
	v4 =	vand.u32 $0xFFFFFFE0, v63  }
0x8c: {  	v3 =	vor.u32 v3, v4  }
0x8d: {  	v4 =	vperm.xlane v3, v0;
	_ =	sdelay $0x1  }
0x8e: {  	v4 =	vadd.s32 v1, v4;
	_ =	sdelay $0x1  }
0x8f: {  	v3 =	vperm.xlane v3, v2;
	_ =	sdelay $0x1  }
0x90: {  	v3 =	vadd.s32 v1, v3  }
0x91: {  	[tilespmem:s25], [sflag:$0x1] =	stream.indirect_vreg.gather [hbm4b:s3+s2], $0x80, v4, vm0, $0xb8;
	[tilespmem:$0x10200] =	vst v63  }
0x92: {  	_ = 	snop  }
0x93: {  	[tilespmem:s26], [sflag:$0x1] =	stream.indirect_vreg.gather [hbm4b:s5+s2], $0x80, v4, vm0, $0xb8;
	[tilespmem:$0x10200] =	vst v63  }
0x94: {  	_ = 	snop  }
0x95: {  	[tilespmem:s28], [sflag:$0x1] =	stream.indirect_vreg.gather [hbm4b:s3+s2], $0x80, v3, vm0, $0xb8;
	[tilespmem:$0x10200] =	vst v63  }
0x96: {  	_ = 	snop  }
0x97: {  	[tilespmem:s29], [sflag:$0x1] =	stream.indirect_vreg.gather [hbm4b:s5+s2], $0x80, v3, vm0, $0xb8;
	[tilespmem:$0x10200] =	vst v63  }
0x98: {  	_ =	swait.ge [sflag:s30], $0x10000  }
0x99: {  	p0 =	sne.s32 s1, $0x6000;
	s6 =	rddreg [dreg:$0x4];
	[sflag:s30] =	ssyncset.done $0x0  }
.Ltmp0:
0x9a: {  	[sflag:s30] =	ssyncadd.s32 $0xFFFF0000;
	s4 =	sadd.s32 s1, s6;
	(pc) =	sbr.rel @p0 .LBB2_2-.Ltmp0, $4  }
0x9b: {  	[hbm4b:s4+s2] =	stream.linear.scatter [tilespmem:s8], [sflag:$0x2], $0x10000, $0x38;
	[tilespmem:$0x10200] =	vst v63  }
0x9c: {  	_ =	swait.ge [sflag:s7], $0x10000  }
0x9d: {  	[sflag:s7] =	ssyncset.done $0x0  }
0x9e: {  	s0 =	sadd.s32 $0x80, s0;
	s1 =	sadd.s32 $0x2000, s1;
	[sflag:s7] =	ssyncadd.s32 $0xFFFF0000  }
0x9f: {  	s31 =	sadd.s32 $0x1, s31;
	s0 =	rddreg [dreg:$0x11]  }
0xa0: {  	p0 =	sne.s32 s31, s0  }
.Ltmp1:
0xa1: {  	_ = 	snop;
	(pc) =	sbr.rel @p0 .LBB2_1-.Ltmp1, $1  }
0xa2: {  	_ =	sdelay $0x3  }
0xa3: {  	_ =	sfence.sel $0x180000  }
0xa4: {  	[bflag:$0x0] =	sbarrier.arrive $0xFFFF  }
0xa5: {  	_ =	strace $0x90000047  }
0xa6: {  	s0 =	stileid.u32;
	[bflag:$0x2] =	sbarrier.arrive $0xFFFF  }
0xa7: {  	p0 =	sne.s32 s0, $0x0;
	s0 =	rddreg [dreg:$0x3]  }
0xa8: {  	s0 =	sadd.s32 @!p0 $0x100000, s0  }
0xa9: {  	[sflag:s0] =	ssyncadd.tile.s32 @!p0 $0x1;
	_ =	shalt  }
.Lfunc_end2:
_tile_overlayer_lowered:
.L_overlay_start_2:
0xaa: {  	(tag) =	ssettag $0x2  }
0xab: {  	s0 =	rddreg [dreg:$0x0];
	s2 =	stileid.u32  }
0xac: {  	s1 =	rddreg [dreg:$0x1];
	p0 =	sne.s32 s2, $0x0  }
0xad: {  	s3 =	rddreg [dreg:$0x2];
	[bflag:$0x3] =	sbarrier.arrive $0xFFFF;
	s2 =	simm.s32 @!p0 $0x1C02  }
0xae: {  	[timem:s3], [sflag:s2] =	dma.local @!p0 [hbm:s0], s1  }
0xaf: {  	s0 =	simm.s32 @!p0 $0x2  }
0xb0: {  	_ =	swait.ge @!p0 [sflag:s0], s1  }
0xb1: {  	s1 =	ssub.s32 @!p0 $0x0, s1;
	[sflag:s0] =	ssyncset.done @!p0 $0x0  }
0xb2: {  	[sflag:s0] =	ssyncadd.s32 @!p0 s1  }
0xb3: {  	[bflag:$0x3] =	sbarrier.arrive $0xFFFF  }
0xb4: {  	_ =	shalt  }

</sc_bundles>
